<compile_context>
chip_gen: v7x
topology: tpu7x:2x2x1
jax: 0.10.2.dev20260603
libtpu: 0.0.44.dev20260713+nightly
codegen_flags: <defaults>
</compile_context>

<pallas_src>
import functools

import jax
import jax.numpy as jnp
from jax import lax
from jax.experimental import pallas as pl
from jax.experimental.pallas import tpu as pltpu
from jax.experimental.pallas import tpu_sc as plsc

VOCAB = 5231
VPAD = 5232
EMB = 300
OUT_DIM = 37
BATCH = 16384
SEQ = 2
NSLAB = 3

_NC = 2
_NS = 16
_NW = _NC * _NS
_B_PER_W = BATCH // _NW

_VT = 1744


def _precompute_body(table_ref, wh_ref, bh_ref, *t_refs):
    t = table_ref[...]

    def slab(w_full, bias, lo, width):
        c = jnp.dot(
            t, w_full[:, lo : lo + width], preferred_element_type=jnp.float32
        )
        if bias is not None:
            c = c + bias[:, lo : lo + width]
        if width < 128:
            c = jnp.concatenate(
                [c, jnp.zeros((c.shape[0], 128 - width), jnp.float32)], axis=1
            )
        return c

    wa = wh_ref[0:EMB, :]
    wb = wh_ref[EMB:, :]
    for kk in range(NSLAB):
        lo = 128 * kk
        width = min(128, EMB - lo)
        t_refs[kk][...] = slab(wa, bh_ref, lo, width)
        t_refs[NSLAB + kk][...] = slab(wb, None, lo, width)


def _precompute(table, wh, bh):
    grid = (VPAD // _VT,)
    return pl.pallas_call(
        _precompute_body,
        grid=grid,
        in_specs=[
            pl.BlockSpec((_VT, EMB), lambda i: (i, 0)),
            pl.BlockSpec((2 * EMB, EMB), lambda i: (0, 0)),
            pl.BlockSpec((1, EMB), lambda i: (0, 0)),
        ],
        out_specs=[pl.BlockSpec((_VT, 128), lambda i: (i, 0))] * (2 * NSLAB),
        out_shape=[jax.ShapeDtypeStruct((VPAD, 128), jnp.float32)] * (2 * NSLAB),
    )(table, wh, bh)


_NSPLIT = 1
_BS = BATCH // _NSPLIT
_B_PER_W_S = _BS // _NW


def _sc_gather_body(
    t00, t01, t02, t10, t11, t12, idx0_hbm, idx1_hbm, out_hbm, i0_v, i1_v, rows_v, sem
):
    wid = lax.axis_index("s") * _NC + lax.axis_index("c")
    base = wid * _B_PER_W_S
    pltpu.sync_copy(idx0_hbm.at[pl.ds(base, _B_PER_W_S)], i0_v)
    pltpu.sync_copy(idx1_hbm.at[pl.ds(base, _B_PER_W_S)], i1_v)
    t0s = (t00, t01, t02)
    t1s = (t10, t11, t12)
    for k in range(NSLAB):
        pltpu.async_copy(t0s[k].at[i0_v], rows_v, sem).wait()
        pltpu.async_copy(t1s[k].at[i1_v], rows_v, sem, add=True).wait()
        pltpu.sync_copy(rows_v, out_hbm.at[pl.ds(k * _BS + base, _B_PER_W_S)])


_sc_gather = functools.partial(
    pl.kernel,
    out_type=jax.ShapeDtypeStruct((NSLAB * _BS, 128), jnp.float32),
    mesh=plsc.VectorSubcoreMesh(core_axis_name="c", subcore_axis_name="s"),
    scratch_types=[
        pltpu.VMEM((_B_PER_W_S,), jnp.int32),
        pltpu.VMEM((_B_PER_W_S,), jnp.int32),
        pltpu.VMEM((_B_PER_W_S, 128), jnp.float32),
        pltpu.SemaphoreType.DMA,
    ],
)(_sc_gather_body)


def _mlp_body(hp_ref, wo_ref, bo_ref, out_ref):
    s0 = jax.nn.sigmoid(hp_ref[0])
    s1 = jax.nn.sigmoid(hp_ref[1])
    s2 = jax.nn.sigmoid(hp_ref[2])[:, 0 : EMB - 256]
    wo = wo_ref[...]
    logits = (
        jnp.dot(s0, wo[0:128, :], preferred_element_type=jnp.float32)
        + jnp.dot(s1, wo[128:256, :], preferred_element_type=jnp.float32)
        + jnp.dot(s2, wo[256:EMB, :], preferred_element_type=jnp.float32)
        + bo_ref[...]
    )
    m = jnp.max(logits, axis=-1, keepdims=True)
    s = logits - m
    lse = jnp.log(jnp.sum(jnp.exp(s), axis=-1, keepdims=True))
    out_ref[...] = jnp.transpose(s - lse)


_TB = 4096


def _mlp(hp, wo, bo):
    grid = _BS // _TB
    return pl.pallas_call(
        _mlp_body,
        grid=(grid,),
        in_specs=[
            pl.BlockSpec((NSLAB, _TB, 128), lambda i: (0, i, 0)),
            pl.BlockSpec((EMB, OUT_DIM), lambda i: (0, 0)),
            pl.BlockSpec((1, OUT_DIM), lambda i: (0, 0)),
        ],
        out_specs=pl.BlockSpec((OUT_DIM, _TB), lambda i: (0, i)),
        out_shape=jax.ShapeDtypeStruct((OUT_DIM, _BS), jnp.float32),
    )(hp, wo, bo)


def kernel(x, table, W_h, b_h, W_o, b_o):
    xi = x.astype(jnp.int32)
    tabs = _precompute(table, W_h, b_h.reshape(1, EMB))
    bo = b_o.reshape(1, OUT_DIM)
    outs = []
    for sidx in range(_NSPLIT):
        sl = slice(sidx * _BS, (sidx + 1) * _BS)
        hp = _sc_gather(*tabs, xi[sl, 0], xi[sl, 1])
        hp3 = hp.reshape(NSLAB, _BS, 128)
        outs.append(_mlp(hp3, W_o, bo))
    return jnp.concatenate(outs, axis=1).T

# --- scband reference (transcript-rebuilt; emitter-appended) ---
"""Pipeline reference for scband-network-28656021799570 (READ-ONLY COPY).

The authoritative reference and input builder live on the scoring server;
editing this copy changes nothing except your own understanding.
"""

import jax, jax.numpy as jnp
import numpy as np

VOCAB = 5231
EMB = 300
OUT_DIM = 37
BATCH = 16384
SEQ = 2


def setup_inputs(seed: int = 0) -> dict:
    key = jax.random.key(seed)
    k_x, k_t, k_wh, k_bh, k_wo, k_bo = jax.random.split(key, 6)
    x = jax.random.randint(k_x, (BATCH, SEQ), 0, VOCAB, dtype=jnp.int64 if jax.config.jax_enable_x64 else jnp.int32)
    table = jax.random.normal(k_t, (VOCAB, EMB), dtype=jnp.float32)
    # nn.Linear(2*300, 300): weight [300, 600], we store transposed [600, 300]
    W_h = jax.random.normal(k_wh, (2 * EMB, EMB), dtype=jnp.float32) * (1.0 / np.sqrt(2 * EMB))
    b_h = jax.random.normal(k_bh, (EMB,), dtype=jnp.float32) * 0.01
    # nn.Linear(300, 37): stored transposed [300, 37]
    W_o = jax.random.normal(k_wo, (EMB, OUT_DIM), dtype=jnp.float32) * (1.0 / np.sqrt(EMB))
    b_o = jax.random.normal(k_bo, (OUT_DIM,), dtype=jnp.float32) * 0.01
    return {"x": x, "table": table, "W_h": W_h, "b_h": b_h, "W_o": W_o, "b_o": b_o}


def reference(x, table, W_h, b_h, W_o, b_o):
    # x = self.lookup(x)
    e = jnp.take(table, x, axis=0)  # [B, L, 300]
    # x = x.view(B, L*300)
    flat = e.reshape(e.shape[0], e.shape[1] * e.shape[2])  # [B, 600]
    # x = sigmoid(self.hidden(x))
    h = jax.nn.sigmoid(flat @ W_h + b_h)  # [B, 300]
    # x = log_softmax(self.output(x), dim=-1)
    out = jax.nn.log_softmax(h @ W_o + b_o, axis=-1)  # [B, 37]
    return out

if __name__ == "__main__":
    import jax
    _d = setup_inputs()
    print(jax.jit(kernel)(*tuple(_d.values())))

</pallas_src>

<mosaic_0001>
#map = affine_map<(d0, d1) -> (0, 0)>
#map1 = affine_map<(d0, d1) -> (0)>
module attributes {stable_mosaic.version = 14 : i64} {
  func.func @_sc_gather_body(%arg0: i32, %arg1: i32, %arg2: memref<5232x128xf32, #tpu.memory_space<hbm>>, %arg3: memref<5232x128xf32, #tpu.memory_space<hbm>>, %arg4: memref<5232x128xf32, #tpu.memory_space<hbm>>, %arg5: memref<5232x128xf32, #tpu.memory_space<hbm>>, %arg6: memref<5232x128xf32, #tpu.memory_space<hbm>>, %arg7: memref<5232x128xf32, #tpu.memory_space<hbm>>, %arg8: memref<16384xi32, #tpu.memory_space<hbm>>, %arg9: memref<16384xi32, #tpu.memory_space<hbm>>, %arg10: memref<49152x128xf32, #tpu.memory_space<hbm>>, %arg11: memref<512xi32, #tpu.memory_space<vmem>>, %arg12: memref<512xi32, #tpu.memory_space<vmem>>, %arg13: memref<512x128xf32, #tpu.memory_space<vmem>>, %arg14: memref<!tpu.dma_semaphore, #tpu.memory_space<semaphore_mem>>) attributes {dimension_semantics = [#tpu.dimension_semantics<core_parallel>, #tpu.dimension_semantics<subcore_parallel>], iteration_bounds = array<i64: 2, 16>, scalar_prefetch = 0 : i64, scratch_operands = 4 : i64, tpu.core_type = #tpu.core_type<sc_vector_subcore>, window_params = [{transform_indices = #map}, {transform_indices = #map}, {transform_indices = #map}, {transform_indices = #map}, {transform_indices = #map}, {transform_indices = #map}, {transform_indices = #map1}, {transform_indices = #map1}, {transform_indices = #map}]} {
    %mul3A = arith.constant 2 : i32
    %mul3A_0 = arith.muli %arg1, %mul3A : i32
    %add3A = arith.addi %mul3A_0, %arg0 : i32
    %mul3A_1 = arith.constant 512 : i32
    %mul3A_2 = arith.muli %add3A, %mul3A_1 : i32
    "tpu.region"() ({
      %run_scoped3A = tpu.sem_alloc : memref<!tpu.dma_semaphore, #tpu.memory_space<semaphore_mem>>
      %dma_start3A_43 = tpu.memref_slice %arg8[%mul3A_2] : memref<16384xi32, #tpu.memory_space<hbm>> -> memref<512xi32, #tpu.memory_space<hbm>>
      %dma_start3A_44 = tpu.memref_slice %arg8[%mul3A_2] : memref<16384xi32, #tpu.memory_space<hbm>> -> memref<512xi32, #tpu.memory_space<hbm>>
      tpu.enqueue_dma source(%dma_start3A_44 : memref<512xi32, #tpu.memory_space<hbm>>) target(%arg11 : memref<512xi32, #tpu.memory_space<vmem>>) target_semaphore(%run_scoped3A : memref<!tpu.dma_semaphore, #tpu.memory_space<semaphore_mem>>)
      %dma_wait3A_45 = tpu.memref_slice %arg8[%mul3A_2] : memref<16384xi32, #tpu.memory_space<hbm>> -> memref<512xi32, #tpu.memory_space<hbm>>
      %dma_wait3A_46 = tpu.memref_slice %arg8[%mul3A_2] : memref<16384xi32, #tpu.memory_space<hbm>> -> memref<512xi32, #tpu.memory_space<hbm>>
      tpu.wait_dma2 semaphore(%run_scoped3A : memref<!tpu.dma_semaphore, #tpu.memory_space<semaphore_mem>>) src(%dma_wait3A_46 : memref<512xi32, #tpu.memory_space<hbm>>) dst(%arg11 : memref<512xi32, #tpu.memory_space<vmem>>)
      tpu.yield
    }) : () -> ()
    "tpu.region"() ({
      %run_scoped3A = tpu.sem_alloc : memref<!tpu.dma_semaphore, #tpu.memory_space<semaphore_mem>>
      %dma_start3A_43 = tpu.memref_slice %arg9[%mul3A_2] : memref<16384xi32, #tpu.memory_space<hbm>> -> memref<512xi32, #tpu.memory_space<hbm>>
      %dma_start3A_44 = tpu.memref_slice %arg9[%mul3A_2] : memref<16384xi32, #tpu.memory_space<hbm>> -> memref<512xi32, #tpu.memory_space<hbm>>
      tpu.enqueue_dma source(%dma_start3A_44 : memref<512xi32, #tpu.memory_space<hbm>>) target(%arg12 : memref<512xi32, #tpu.memory_space<vmem>>) target_semaphore(%run_scoped3A : memref<!tpu.dma_semaphore, #tpu.memory_space<semaphore_mem>>)
      %dma_wait3A_45 = tpu.memref_slice %arg9[%mul3A_2] : memref<16384xi32, #tpu.memory_space<hbm>> -> memref<512xi32, #tpu.memory_space<hbm>>
      %dma_wait3A_46 = tpu.memref_slice %arg9[%mul3A_2] : memref<16384xi32, #tpu.memory_space<hbm>> -> memref<512xi32, #tpu.memory_space<hbm>>
      tpu.wait_dma2 semaphore(%run_scoped3A : memref<!tpu.dma_semaphore, #tpu.memory_space<semaphore_mem>>) src(%dma_wait3A_46 : memref<512xi32, #tpu.memory_space<hbm>>) dst(%arg12 : memref<512xi32, #tpu.memory_space<vmem>>)
      tpu.yield
    }) : () -> ()
    %dma_start3A = arith.constant 0 : i32
    %dma_start3A_3 = arith.constant 0 : i32
    %dma_start3A_4 = tpu.memref_slice %arg2[%dma_start3A, %dma_start3A_3] : memref<5232x128xf32, #tpu.memory_space<hbm>> -> memref<5232x128xf32, #tpu.memory_space<hbm>>
    tpu.enqueue_indirect_dma source(%dma_start3A_4 : memref<5232x128xf32, #tpu.memory_space<hbm>>) target(%arg13 : memref<512x128xf32, #tpu.memory_space<vmem>>) offsets(%arg11 : memref<512xi32, #tpu.memory_space<vmem>>) semaphore(%arg14 : memref<!tpu.dma_semaphore, #tpu.memory_space<semaphore_mem>>)
    %dma_wait3A = arith.constant 0 : i32
    %dma_wait3A_5 = arith.constant 0 : i32
    %dma_wait3A_6 = tpu.memref_slice %arg2[%dma_wait3A, %dma_wait3A_5] : memref<5232x128xf32, #tpu.memory_space<hbm>> -> memref<5232x128xf32, #tpu.memory_space<hbm>>
    tpu.wait_indirect_dma semaphore(%arg14 : memref<!tpu.dma_semaphore, #tpu.memory_space<semaphore_mem>>) src(%dma_wait3A_6 : memref<5232x128xf32, #tpu.memory_space<hbm>>) dst(%arg13 : memref<512x128xf32, #tpu.memory_space<vmem>>)
    %dma_start3A_7 = arith.constant 0 : i32
    %dma_start3A_8 = arith.constant 0 : i32
    %dma_start3A_9 = tpu.memref_slice %arg5[%dma_start3A_7, %dma_start3A_8] : memref<5232x128xf32, #tpu.memory_space<hbm>> -> memref<5232x128xf32, #tpu.memory_space<hbm>>
    tpu.enqueue_indirect_dma source(%dma_start3A_9 : memref<5232x128xf32, #tpu.memory_space<hbm>>) target(%arg13 : memref<512x128xf32, #tpu.memory_space<vmem>>) offsets(%arg12 : memref<512xi32, #tpu.memory_space<vmem>>) semaphore(%arg14 : memref<!tpu.dma_semaphore, #tpu.memory_space<semaphore_mem>>) {add = true}
    %dma_wait3A_10 = arith.constant 0 : i32
    %dma_wait3A_11 = arith.constant 0 : i32
    %dma_wait3A_12 = tpu.memref_slice %arg5[%dma_wait3A_10, %dma_wait3A_11] : memref<5232x128xf32, #tpu.memory_space<hbm>> -> memref<5232x128xf32, #tpu.memory_space<hbm>>
    tpu.wait_indirect_dma semaphore(%arg14 : memref<!tpu.dma_semaphore, #tpu.memory_space<semaphore_mem>>) src(%dma_wait3A_12 : memref<5232x128xf32, #tpu.memory_space<hbm>>) dst(%arg13 : memref<512x128xf32, #tpu.memory_space<vmem>>)
    %add3A_13 = arith.constant 0 : i32
    %add3A_14 = arith.addi %add3A_13, %mul3A_2 : i32
    "tpu.region"() ({
      %run_scoped3A = tpu.sem_alloc : memref<!tpu.dma_semaphore, #tpu.memory_space<semaphore_mem>>
      %dma_start3A_43 = arith.constant 0 : i32
      %dma_start3A_44 = tpu.memref_slice %arg10[%add3A_14, %dma_start3A_43] : memref<49152x128xf32, #tpu.memory_space<hbm>> -> memref<512x128xf32, #tpu.memory_space<hbm>>
      %dma_start3A_45 = arith.constant 0 : i32
      %dma_start3A_46 = tpu.memref_slice %arg10[%add3A_14, %dma_start3A_45] : memref<49152x128xf32, #tpu.memory_space<hbm>> -> memref<512x128xf32, #tpu.memory_space<hbm>>
      tpu.enqueue_dma source(%arg13 : memref<512x128xf32, #tpu.memory_space<vmem>>) target(%dma_start3A_46 : memref<512x128xf32, #tpu.memory_space<hbm>>) target_semaphore(%run_scoped3A : memref<!tpu.dma_semaphore, #tpu.memory_space<semaphore_mem>>)
      %dma_wait3A_47 = arith.constant 0 : i32
      %dma_wait3A_48 = tpu.memref_slice %arg10[%add3A_14, %dma_wait3A_47] : memref<49152x128xf32, #tpu.memory_space<hbm>> -> memref<512x128xf32, #tpu.memory_space<hbm>>
      %dma_wait3A_49 = arith.constant 0 : i32
      %dma_wait3A_50 = tpu.memref_slice %arg10[%add3A_14, %dma_wait3A_49] : memref<49152x128xf32, #tpu.memory_space<hbm>> -> memref<512x128xf32, #tpu.memory_space<hbm>>
      tpu.wait_dma2 semaphore(%run_scoped3A : memref<!tpu.dma_semaphore, #tpu.memory_space<semaphore_mem>>) src(%arg13 : memref<512x128xf32, #tpu.memory_space<vmem>>) dst(%dma_wait3A_50 : memref<512x128xf32, #tpu.memory_space<hbm>>)
      tpu.yield
    }) : () -> ()
    %dma_start3A_15 = arith.constant 0 : i32
    %dma_start3A_16 = arith.constant 0 : i32
    %dma_start3A_17 = tpu.memref_slice %arg3[%dma_start3A_15, %dma_start3A_16] : memref<5232x128xf32, #tpu.memory_space<hbm>> -> memref<5232x128xf32, #tpu.memory_space<hbm>>
    tpu.enqueue_indirect_dma source(%dma_start3A_17 : memref<5232x128xf32, #tpu.memory_space<hbm>>) target(%arg13 : memref<512x128xf32, #tpu.memory_space<vmem>>) offsets(%arg11 : memref<512xi32, #tpu.memory_space<vmem>>) semaphore(%arg14 : memref<!tpu.dma_semaphore, #tpu.memory_space<semaphore_mem>>)
    %dma_wait3A_18 = arith.constant 0 : i32
    %dma_wait3A_19 = arith.constant 0 : i32
    %dma_wait3A_20 = tpu.memref_slice %arg3[%dma_wait3A_18, %dma_wait3A_19] : memref<5232x128xf32, #tpu.memory_space<hbm>> -> memref<5232x128xf32, #tpu.memory_space<hbm>>
    tpu.wait_indirect_dma semaphore(%arg14 : memref<!tpu.dma_semaphore, #tpu.memory_space<semaphore_mem>>) src(%dma_wait3A_20 : memref<5232x128xf32, #tpu.memory_space<hbm>>) dst(%arg13 : memref<512x128xf32, #tpu.memory_space<vmem>>)
    %dma_start3A_21 = arith.constant 0 : i32
    %dma_start3A_22 = arith.constant 0 : i32
    %dma_start3A_23 = tpu.memref_slice %arg6[%dma_start3A_21, %dma_start3A_22] : memref<5232x128xf32, #tpu.memory_space<hbm>> -> memref<5232x128xf32, #tpu.memory_space<hbm>>
    tpu.enqueue_indirect_dma source(%dma_start3A_23 : memref<5232x128xf32, #tpu.memory_space<hbm>>) target(%arg13 : memref<512x128xf32, #tpu.memory_space<vmem>>) offsets(%arg12 : memref<512xi32, #tpu.memory_space<vmem>>) semaphore(%arg14 : memref<!tpu.dma_semaphore, #tpu.memory_space<semaphore_mem>>) {add = true}
    %dma_wait3A_24 = arith.constant 0 : i32
    %dma_wait3A_25 = arith.constant 0 : i32
    %dma_wait3A_26 = tpu.memref_slice %arg6[%dma_wait3A_24, %dma_wait3A_25] : memref<5232x128xf32, #tpu.memory_space<hbm>> -> memref<5232x128xf32, #tpu.memory_space<hbm>>
    tpu.wait_indirect_dma semaphore(%arg14 : memref<!tpu.dma_semaphore, #tpu.memory_space<semaphore_mem>>) src(%dma_wait3A_26 : memref<5232x128xf32, #tpu.memory_space<hbm>>) dst(%arg13 : memref<512x128xf32, #tpu.memory_space<vmem>>)
    %add3A_27 = arith.constant 16384 : i32
    %add3A_28 = arith.addi %add3A_27, %mul3A_2 : i32
    "tpu.region"() ({
      %run_scoped3A = tpu.sem_alloc : memref<!tpu.dma_semaphore, #tpu.memory_space<semaphore_mem>>
      %dma_start3A_43 = arith.constant 0 : i32
      %dma_start3A_44 = tpu.memref_slice %arg10[%add3A_28, %dma_start3A_43] : memref<49152x128xf32, #tpu.memory_space<hbm>> -> memref<512x128xf32, #tpu.memory_space<hbm>>
      %dma_start3A_45 = arith.constant 0 : i32
      %dma_start3A_46 = tpu.memref_slice %arg10[%add3A_28, %dma_start3A_45] : memref<49152x128xf32, #tpu.memory_space<hbm>> -> memref<512x128xf32, #tpu.memory_space<hbm>>
      tpu.enqueue_dma source(%arg13 : memref<512x128xf32, #tpu.memory_space<vmem>>) target(%dma_start3A_46 : memref<512x128xf32, #tpu.memory_space<hbm>>) target_semaphore(%run_scoped3A : memref<!tpu.dma_semaphore, #tpu.memory_space<semaphore_mem>>)
      %dma_wait3A_47 = arith.constant 0 : i32
      %dma_wait3A_48 = tpu.memref_slice %arg10[%add3A_28, %dma_wait3A_47] : memref<49152x128xf32, #tpu.memory_space<hbm>> -> memref<512x128xf32, #tpu.memory_space<hbm>>
      %dma_wait3A_49 = arith.constant 0 : i32
      %dma_wait3A_50 = tpu.memref_slice %arg10[%add3A_28, %dma_wait3A_49] : memref<49152x128xf32, #tpu.memory_space<hbm>> -> memref<512x128xf32, #tpu.memory_space<hbm>>
      tpu.wait_dma2 semaphore(%run_scoped3A : memref<!tpu.dma_semaphore, #tpu.memory_space<semaphore_mem>>) src(%arg13 : memref<512x128xf32, #tpu.memory_space<vmem>>) dst(%dma_wait3A_50 : memref<512x128xf32, #tpu.memory_space<hbm>>)
      tpu.yield
    }) : () -> ()
    %dma_start3A_29 = arith.constant 0 : i32
    %dma_start3A_30 = arith.constant 0 : i32
    %dma_start3A_31 = tpu.memref_slice %arg4[%dma_start3A_29, %dma_start3A_30] : memref<5232x128xf32, #tpu.memory_space<hbm>> -> memref<5232x128xf32, #tpu.memory_space<hbm>>
    tpu.enqueue_indirect_dma source(%dma_start3A_31 : memref<5232x128xf32, #tpu.memory_space<hbm>>) target(%arg13 : memref<512x128xf32, #tpu.memory_space<vmem>>) offsets(%arg11 : memref<512xi32, #tpu.memory_space<vmem>>) semaphore(%arg14 : memref<!tpu.dma_semaphore, #tpu.memory_space<semaphore_mem>>)
    %dma_wait3A_32 = arith.constant 0 : i32
    %dma_wait3A_33 = arith.constant 0 : i32
    %dma_wait3A_34 = tpu.memref_slice %arg4[%dma_wait3A_32, %dma_wait3A_33] : memref<5232x128xf32, #tpu.memory_space<hbm>> -> memref<5232x128xf32, #tpu.memory_space<hbm>>
    tpu.wait_indirect_dma semaphore(%arg14 : memref<!tpu.dma_semaphore, #tpu.memory_space<semaphore_mem>>) src(%dma_wait3A_34 : memref<5232x128xf32, #tpu.memory_space<hbm>>) dst(%arg13 : memref<512x128xf32, #tpu.memory_space<vmem>>)
    %dma_start3A_35 = arith.constant 0 : i32
    %dma_start3A_36 = arith.constant 0 : i32
    %dma_start3A_37 = tpu.memref_slice %arg7[%dma_start3A_35, %dma_start3A_36] : memref<5232x128xf32, #tpu.memory_space<hbm>> -> memref<5232x128xf32, #tpu.memory_space<hbm>>
    tpu.enqueue_indirect_dma source(%dma_start3A_37 : memref<5232x128xf32, #tpu.memory_space<hbm>>) target(%arg13 : memref<512x128xf32, #tpu.memory_space<vmem>>) offsets(%arg12 : memref<512xi32, #tpu.memory_space<vmem>>) semaphore(%arg14 : memref<!tpu.dma_semaphore, #tpu.memory_space<semaphore_mem>>) {add = true}
    %dma_wait3A_38 = arith.constant 0 : i32
    %dma_wait3A_39 = arith.constant 0 : i32
    %dma_wait3A_40 = tpu.memref_slice %arg7[%dma_wait3A_38, %dma_wait3A_39] : memref<5232x128xf32, #tpu.memory_space<hbm>> -> memref<5232x128xf32, #tpu.memory_space<hbm>>
    tpu.wait_indirect_dma semaphore(%arg14 : memref<!tpu.dma_semaphore, #tpu.memory_space<semaphore_mem>>) src(%dma_wait3A_40 : memref<5232x128xf32, #tpu.memory_space<hbm>>) dst(%arg13 : memref<512x128xf32, #tpu.memory_space<vmem>>)
    %add3A_41 = arith.constant 32768 : i32
    %add3A_42 = arith.addi %add3A_41, %mul3A_2 : i32
    "tpu.region"() ({
      %run_scoped3A = tpu.sem_alloc : memref<!tpu.dma_semaphore, #tpu.memory_space<semaphore_mem>>
      %dma_start3A_43 = arith.constant 0 : i32
      %dma_start3A_44 = tpu.memref_slice %arg10[%add3A_42, %dma_start3A_43] : memref<49152x128xf32, #tpu.memory_space<hbm>> -> memref<512x128xf32, #tpu.memory_space<hbm>>
      %dma_start3A_45 = arith.constant 0 : i32
      %dma_start3A_46 = tpu.memref_slice %arg10[%add3A_42, %dma_start3A_45] : memref<49152x128xf32, #tpu.memory_space<hbm>> -> memref<512x128xf32, #tpu.memory_space<hbm>>
      tpu.enqueue_dma source(%arg13 : memref<512x128xf32, #tpu.memory_space<vmem>>) target(%dma_start3A_46 : memref<512x128xf32, #tpu.memory_space<hbm>>) target_semaphore(%run_scoped3A : memref<!tpu.dma_semaphore, #tpu.memory_space<semaphore_mem>>)
      %dma_wait3A_47 = arith.constant 0 : i32
      %dma_wait3A_48 = tpu.memref_slice %arg10[%add3A_42, %dma_wait3A_47] : memref<49152x128xf32, #tpu.memory_space<hbm>> -> memref<512x128xf32, #tpu.memory_space<hbm>>
      %dma_wait3A_49 = arith.constant 0 : i32
      %dma_wait3A_50 = tpu.memref_slice %arg10[%add3A_42, %dma_wait3A_49] : memref<49152x128xf32, #tpu.memory_space<hbm>> -> memref<512x128xf32, #tpu.memory_space<hbm>>
      tpu.wait_dma2 semaphore(%run_scoped3A : memref<!tpu.dma_semaphore, #tpu.memory_space<semaphore_mem>>) src(%arg13 : memref<512x128xf32, #tpu.memory_space<vmem>>) dst(%dma_wait3A_50 : memref<512x128xf32, #tpu.memory_space<hbm>>)
      tpu.yield
    }) : () -> ()
    return
  }
}

module attributes {stable_mosaic.version = 14 : i64} {
  func.func @_precompute_body(%arg0: i32, %arg1: memref<1744x300xf32, #tpu.memory_space<vmem>>, %arg2: memref<600x300xf32, #tpu.memory_space<vmem>>, %arg3: memref<1x300xf32, #tpu.memory_space<vmem>>, %arg4: memref<1744x128xf32, #tpu.memory_space<vmem>>, %arg5: memref<1744x128xf32, #tpu.memory_space<vmem>>, %arg6: memref<1744x128xf32, #tpu.memory_space<vmem>>, %arg7: memref<1744x128xf32, #tpu.memory_space<vmem>>, %arg8: memref<1744x128xf32, #tpu.memory_space<vmem>>, %arg9: memref<1744x128xf32, #tpu.memory_space<vmem>>) attributes {dimension_semantics = [#tpu.dimension_semantics<arbitrary>], iteration_bounds = array<i64: 3>, scalar_prefetch = 0 : i64, scratch_operands = 0 : i64, tpu.core_type = #tpu.core_type<tc>, window_params = [{transform_indices = @transform_0, window_bounds = array<i64: 1744, 300>}, {pipeline_mode = #tpu.pipeline_mode<synchronous>, transform_indices = @transform_1, window_bounds = array<i64: 600, 300>}, {pipeline_mode = #tpu.pipeline_mode<synchronous>, transform_indices = @transform_2, window_bounds = array<i64: 1, 300>}, {transform_indices = @transform_3, window_bounds = array<i64: 1744, 128>}, {transform_indices = @transform_4, window_bounds = array<i64: 1744, 128>}, {transform_indices = @transform_5, window_bounds = array<i64: 1744, 128>}, {transform_indices = @transform_6, window_bounds = array<i64: 1744, 128>}, {transform_indices = @transform_7, window_bounds = array<i64: 1744, 128>}, {transform_indices = @transform_8, window_bounds = array<i64: 1744, 128>}]} {
    %get3A = arith.constant 0 : index
    %get3A_0 = arith.constant 0 : index
    %get3A_1 = vector.load %arg1[%get3A, %get3A_0] : memref<1744x300xf32, #tpu.memory_space<vmem>>, vector<1744x300xf32>
    %get3A_2 = arith.constant 0 : index
    %get3A_3 = arith.constant 0 : index
    %get3A_4 = vector.load %arg2[%get3A_2, %get3A_3] : memref<600x300xf32, #tpu.memory_space<vmem>>, vector<300x300xf32>
    %get3A_5 = arith.constant 300 : index
    %get3A_6 = arith.constant 0 : index
    %get3A_7 = vector.load %arg2[%get3A_5, %get3A_6] : memref<600x300xf32, #tpu.memory_space<vmem>>, vector<300x300xf32>
    %slice3A = vector.extract_strided_slice %get3A_4 {offsets = [0, 0], sizes = [300, 128], strides = [1, 1]} : vector<300x300xf32> to vector<300x128xf32>
    %dot_general3A = arith.constant dense<0.000000e+00> : vector<1744x128xf32>
    %dot_general3A_8 = tpu.matmul %get3A_1, %slice3A, %dot_general3A {dimension_numbers = #tpu.dot_dimension_numbers<[1], [0], [0], [1], [0, 0, 1, 1], [], []>, transpose_lhs_hint = false} : vector<1744x300xf32>, vector<300x128xf32>, vector<1744x128xf32> -> vector<1744x128xf32>
    %get3A_9 = arith.constant 0 : index
    %get3A_10 = arith.constant 0 : index
    %get3A_11 = vector.load %arg3[%get3A_9, %get3A_10] : memref<1x300xf32, #tpu.memory_space<vmem>>, vector<1x128xf32>
    %add3A = vector.broadcast %get3A_11 : vector<1x128xf32> to vector<1744x128xf32>
    %add3A_12 = arith.addf %dot_general3A_8, %add3A : vector<1744x128xf32>
    %swap3A = arith.constant 0 : index
    %swap3A_13 = arith.constant 0 : index
    %swap3A_14 = vector.load %arg4[%swap3A, %swap3A_13] : memref<1744x128xf32, #tpu.memory_space<vmem>>, vector<1744x128xf32>
    tpu.vector_store %arg4[%swap3A, %swap3A_13], %add3A_12 {strides = array<i32>} : memref<1744x128xf32, #tpu.memory_space<vmem>>, vector<1744x128xf32>,
    %slice3A_15 = vector.extract_strided_slice %get3A_7 {offsets = [0, 0], sizes = [300, 128], strides = [1, 1]} : vector<300x300xf32> to vector<300x128xf32>
    %dot_general3A_16 = arith.constant dense<0.000000e+00> : vector<1744x128xf32>
    %dot_general3A_17 = tpu.matmul %get3A_1, %slice3A_15, %dot_general3A_16 {dimension_numbers = #tpu.dot_dimension_numbers<[1], [0], [0], [1], [0, 0, 1, 1], [], []>, transpose_lhs_hint = false} : vector<1744x300xf32>, vector<300x128xf32>, vector<1744x128xf32> -> vector<1744x128xf32>
    %swap3A_18 = arith.constant 0 : index
    %swap3A_19 = arith.constant 0 : index
    %swap3A_20 = vector.load %arg7[%swap3A_18, %swap3A_19] : memref<1744x128xf32, #tpu.memory_space<vmem>>, vector<1744x128xf32>
    tpu.vector_store %arg7[%swap3A_18, %swap3A_19], %dot_general3A_17 {strides = array<i32>} : memref<1744x128xf32, #tpu.memory_space<vmem>>, vector<1744x128xf32>,
    %slice3A_21 = vector.extract_strided_slice %get3A_4 {offsets = [0, 128], sizes = [300, 128], strides = [1, 1]} : vector<300x300xf32> to vector<300x128xf32>
    %dot_general3A_22 = arith.constant dense<0.000000e+00> : vector<1744x128xf32>
    %dot_general3A_23 = tpu.matmul %get3A_1, %slice3A_21, %dot_general3A_22 {dimension_numbers = #tpu.dot_dimension_numbers<[1], [0], [0], [1], [0, 0, 1, 1], [], []>, transpose_lhs_hint = false} : vector<1744x300xf32>, vector<300x128xf32>, vector<1744x128xf32> -> vector<1744x128xf32>
    %get3A_24 = arith.constant 0 : index
    %get3A_25 = arith.constant 128 : index
    %get3A_26 = vector.load %arg3[%get3A_24, %get3A_25] : memref<1x300xf32, #tpu.memory_space<vmem>>, vector<1x128xf32>
    %add3A_27 = vector.broadcast %get3A_26 : vector<1x128xf32> to vector<1744x128xf32>
    %add3A_28 = arith.addf %dot_general3A_23, %add3A_27 : vector<1744x128xf32>
    %swap3A_29 = arith.constant 0 : index
    %swap3A_30 = arith.constant 0 : index
    %swap3A_31 = vector.load %arg5[%swap3A_29, %swap3A_30] : memref<1744x128xf32, #tpu.memory_space<vmem>>, vector<1744x128xf32>
    tpu.vector_store %arg5[%swap3A_29, %swap3A_30], %add3A_28 {strides = array<i32>} : memref<1744x128xf32, #tpu.memory_space<vmem>>, vector<1744x128xf32>,
    %slice3A_32 = vector.extract_strided_slice %get3A_7 {offsets = [0, 128], sizes = [300, 128], strides = [1, 1]} : vector<300x300xf32> to vector<300x128xf32>
    %dot_general3A_33 = arith.constant dense<0.000000e+00> : vector<1744x128xf32>
    %dot_general3A_34 = tpu.matmul %get3A_1, %slice3A_32, %dot_general3A_33 {dimension_numbers = #tpu.dot_dimension_numbers<[1], [0], [0], [1], [0, 0, 1, 1], [], []>, transpose_lhs_hint = false} : vector<1744x300xf32>, vector<300x128xf32>, vector<1744x128xf32> -> vector<1744x128xf32>
    %swap3A_35 = arith.constant 0 : index
    %swap3A_36 = arith.constant 0 : index
    %swap3A_37 = vector.load %arg8[%swap3A_35, %swap3A_36] : memref<1744x128xf32, #tpu.memory_space<vmem>>, vector<1744x128xf32>
    tpu.vector_store %arg8[%swap3A_35, %swap3A_36], %dot_general3A_34 {strides = array<i32>} : memref<1744x128xf32, #tpu.memory_space<vmem>>, vector<1744x128xf32>,
    %slice3A_38 = vector.extract_strided_slice %get3A_4 {offsets = [0, 256], sizes = [300, 44], strides = [1, 1]} : vector<300x300xf32> to vector<300x44xf32>
    %dot_general3A_39 = arith.constant dense<0.000000e+00> : vector<1744x44xf32>
    %dot_general3A_40 = tpu.matmul %get3A_1, %slice3A_38, %dot_general3A_39 {dimension_numbers = #tpu.dot_dimension_numbers<[1], [0], [0], [1], [0, 0, 1, 1], [], []>, transpose_lhs_hint = false} : vector<1744x300xf32>, vector<300x44xf32>, vector<1744x44xf32> -> vector<1744x44xf32>
    %get3A_41 = arith.constant 0 : index
    %get3A_42 = arith.constant 256 : index
    %get3A_43 = vector.load %arg3[%get3A_41, %get3A_42] : memref<1x300xf32, #tpu.memory_space<vmem>>, vector<1x44xf32>
    %add3A_44 = vector.broadcast %get3A_43 : vector<1x44xf32> to vector<1744x44xf32>
    %add3A_45 = arith.addf %dot_general3A_40, %add3A_44 : vector<1744x44xf32>
    %broadcast_in_dim3A = arith.constant 0.000000e+00 : f32
    %broadcast_in_dim3A_46 = vector.broadcast %broadcast_in_dim3A : f32 to vector<1744x84xf32>
    %concatenate3A = tpu.concatenate %add3A_45, %broadcast_in_dim3A_46 in 1 : vector<1744x44xf32>, vector<1744x84xf32> -> vector<1744x128xf32>
    %swap3A_47 = arith.constant 0 : index
    %swap3A_48 = arith.constant 0 : index
    %swap3A_49 = vector.load %arg6[%swap3A_47, %swap3A_48] : memref<1744x128xf32, #tpu.memory_space<vmem>>, vector<1744x128xf32>
    tpu.vector_store %arg6[%swap3A_47, %swap3A_48], %concatenate3A {strides = array<i32>} : memref<1744x128xf32, #tpu.memory_space<vmem>>, vector<1744x128xf32>,
    %slice3A_50 = vector.extract_strided_slice %get3A_7 {offsets = [0, 256], sizes = [300, 44], strides = [1, 1]} : vector<300x300xf32> to vector<300x44xf32>
    %dot_general3A_51 = arith.constant dense<0.000000e+00> : vector<1744x44xf32>
    %dot_general3A_52 = tpu.matmul %get3A_1, %slice3A_50, %dot_general3A_51 {dimension_numbers = #tpu.dot_dimension_numbers<[1], [0], [0], [1], [0, 0, 1, 1], [], []>, transpose_lhs_hint = false} : vector<1744x300xf32>, vector<300x44xf32>, vector<1744x44xf32> -> vector<1744x44xf32>
    %broadcast_in_dim3A_53 = arith.constant 0.000000e+00 : f32
    %broadcast_in_dim3A_54 = vector.broadcast %broadcast_in_dim3A_53 : f32 to vector<1744x84xf32>
    %concatenate3A_55 = tpu.concatenate %dot_general3A_52, %broadcast_in_dim3A_54 in 1 : vector<1744x44xf32>, vector<1744x84xf32> -> vector<1744x128xf32>
    %swap3A_56 = arith.constant 0 : index
    %swap3A_57 = arith.constant 0 : index
    %swap3A_58 = vector.load %arg9[%swap3A_56, %swap3A_57] : memref<1744x128xf32, #tpu.memory_space<vmem>>, vector<1744x128xf32>
    tpu.vector_store %arg9[%swap3A_56, %swap3A_57], %concatenate3A_55 {strides = array<i32>} : memref<1744x128xf32, #tpu.memory_space<vmem>>, vector<1744x128xf32>,
    return
  }
  func.func @transform_0(%arg0: i32) -> (i32, i32) {
    %c0_i32 = arith.constant 0 : i32
    %c0_i32_0 = arith.constant 0 : i32
    return %arg0, %c0_i32 : i32, i32
  }
  func.func @transform_1(%arg0: i32) -> (i32, i32) {
    %c0_i32 = arith.constant 0 : i32
    %c0_i32_0 = arith.constant 0 : i32
    %c0_i32_1 = arith.constant 0 : i32
    return %c0_i32, %c0_i32_0 : i32, i32
  }
  func.func @transform_2(%arg0: i32) -> (i32, i32) {
    %c0_i32 = arith.constant 0 : i32
    %c0_i32_0 = arith.constant 0 : i32
    %c0_i32_1 = arith.constant 0 : i32
    return %c0_i32, %c0_i32_0 : i32, i32
  }
  func.func @transform_3(%arg0: i32) -> (i32, i32) {
    %c0_i32 = arith.constant 0 : i32
    %c0_i32_0 = arith.constant 0 : i32
    return %arg0, %c0_i32 : i32, i32
  }
  func.func @transform_4(%arg0: i32) -> (i32, i32) {
    %c0_i32 = arith.constant 0 : i32
    %c0_i32_0 = arith.constant 0 : i32
    return %arg0, %c0_i32 : i32, i32
  }
  func.func @transform_5(%arg0: i32) -> (i32, i32) {
    %c0_i32 = arith.constant 0 : i32
    %c0_i32_0 = arith.constant 0 : i32
    return %arg0, %c0_i32 : i32, i32
  }
  func.func @transform_6(%arg0: i32) -> (i32, i32) {
    %c0_i32 = arith.constant 0 : i32
    %c0_i32_0 = arith.constant 0 : i32
    return %arg0, %c0_i32 : i32, i32
  }
  func.func @transform_7(%arg0: i32) -> (i32, i32) {
    %c0_i32 = arith.constant 0 : i32
    %c0_i32_0 = arith.constant 0 : i32
    return %arg0, %c0_i32 : i32, i32
  }
  func.func @transform_8(%arg0: i32) -> (i32, i32) {
    %c0_i32 = arith.constant 0 : i32
    %c0_i32_0 = arith.constant 0 : i32
    return %arg0, %c0_i32 : i32, i32
  }
}

module attributes {stable_mosaic.version = 14 : i64} {
  func.func @_mlp_body(%arg0: i32, %arg1: memref<3x4096x128xf32, #tpu.memory_space<vmem>>, %arg2: memref<300x37xf32, #tpu.memory_space<vmem>>, %arg3: memref<1x37xf32, #tpu.memory_space<vmem>>, %arg4: memref<37x4096xf32, #tpu.memory_space<vmem>>) attributes {dimension_semantics = [#tpu.dimension_semantics<arbitrary>], iteration_bounds = array<i64: 4>, scalar_prefetch = 0 : i64, scratch_operands = 0 : i64, tpu.core_type = #tpu.core_type<tc>, window_params = [{transform_indices = @transform_0, window_bounds = array<i64: 3, 4096, 128>}, {pipeline_mode = #tpu.pipeline_mode<synchronous>, transform_indices = @transform_1, window_bounds = array<i64: 300, 37>}, {pipeline_mode = #tpu.pipeline_mode<synchronous>, transform_indices = @transform_2, window_bounds = array<i64: 1, 37>}, {transform_indices = @transform_3, window_bounds = array<i64: 37, 4096>}]} {
    %get3A = arith.constant 0 : index
    %get3A_0 = arith.constant 0 : index
    %get3A_1 = arith.constant 0 : index
    %get3A_2 = vector.load %arg1[%get3A, %get3A_0, %get3A_1] : memref<3x4096x128xf32, #tpu.memory_space<vmem>>, vector<1x4096x128xf32>
    %get3A_3 = vector.shape_cast %get3A_2 : vector<1x4096x128xf32> to vector<4096x128xf32>
    %logistic3A = arith.negf %get3A_3 : vector<4096x128xf32>
    %logistic3A_4 = math.exp %logistic3A : vector<4096x128xf32>
    %logistic3A_5 = arith.constant 1.000000e+00 : f32
    %logistic3A_6 = vector.broadcast %logistic3A_5 : f32 to vector<4096x128xf32>
    %logistic3A_7 = arith.addf %logistic3A_6, %logistic3A_4 : vector<4096x128xf32>
    %logistic3A_8 = arith.divf %logistic3A_6, %logistic3A_7 : vector<4096x128xf32>
    %get3A_9 = arith.constant 1 : index
    %get3A_10 = arith.constant 0 : index
    %get3A_11 = arith.constant 0 : index
    %get3A_12 = vector.load %arg1[%get3A_9, %get3A_10, %get3A_11] : memref<3x4096x128xf32, #tpu.memory_space<vmem>>, vector<1x4096x128xf32>
    %get3A_13 = vector.shape_cast %get3A_12 : vector<1x4096x128xf32> to vector<4096x128xf32>
    %logistic3A_14 = arith.negf %get3A_13 : vector<4096x128xf32>
    %logistic3A_15 = math.exp %logistic3A_14 : vector<4096x128xf32>
    %logistic3A_16 = arith.constant 1.000000e+00 : f32
    %logistic3A_17 = vector.broadcast %logistic3A_16 : f32 to vector<4096x128xf32>
    %logistic3A_18 = arith.addf %logistic3A_17, %logistic3A_15 : vector<4096x128xf32>
    %logistic3A_19 = arith.divf %logistic3A_17, %logistic3A_18 : vector<4096x128xf32>
    %get3A_20 = arith.constant 2 : index
    %get3A_21 = arith.constant 0 : index
    %get3A_22 = arith.constant 0 : index
    %get3A_23 = vector.load %arg1[%get3A_20, %get3A_21, %get3A_22] : memref<3x4096x128xf32, #tpu.memory_space<vmem>>, vector<1x4096x128xf32>
    %get3A_24 = vector.shape_cast %get3A_23 : vector<1x4096x128xf32> to vector<4096x128xf32>
    %logistic3A_25 = arith.negf %get3A_24 : vector<4096x128xf32>
    %logistic3A_26 = math.exp %logistic3A_25 : vector<4096x128xf32>
    %logistic3A_27 = arith.constant 1.000000e+00 : f32
    %logistic3A_28 = vector.broadcast %logistic3A_27 : f32 to vector<4096x128xf32>
    %logistic3A_29 = arith.addf %logistic3A_28, %logistic3A_26 : vector<4096x128xf32>
    %logistic3A_30 = arith.divf %logistic3A_28, %logistic3A_29 : vector<4096x128xf32>
    %slice3A = vector.extract_strided_slice %logistic3A_30 {offsets = [0, 0], sizes = [4096, 44], strides = [1, 1]} : vector<4096x128xf32> to vector<4096x44xf32>
    %get3A_31 = arith.constant 0 : index
    %get3A_32 = arith.constant 0 : index
    %get3A_33 = vector.load %arg2[%get3A_31, %get3A_32] : memref<300x37xf32, #tpu.memory_space<vmem>>, vector<300x37xf32>
    %slice3A_34 = vector.extract_strided_slice %get3A_33 {offsets = [0, 0], sizes = [128, 37], strides = [1, 1]} : vector<300x37xf32> to vector<128x37xf32>
    %dot_general3A = arith.constant dense<0.000000e+00> : vector<4096x37xf32>
    %dot_general3A_35 = tpu.matmul %logistic3A_8, %slice3A_34, %dot_general3A {dimension_numbers = #tpu.dot_dimension_numbers<[1], [0], [0], [1], [0, 0, 1, 1], [], []>, transpose_lhs_hint = false} : vector<4096x128xf32>, vector<128x37xf32>, vector<4096x37xf32> -> vector<4096x37xf32>
    %slice3A_36 = vector.extract_strided_slice %get3A_33 {offsets = [128, 0], sizes = [128, 37], strides = [1, 1]} : vector<300x37xf32> to vector<128x37xf32>
    %dot_general3A_37 = arith.constant dense<0.000000e+00> : vector<4096x37xf32>
    %dot_general3A_38 = tpu.matmul %logistic3A_19, %slice3A_36, %dot_general3A_37 {dimension_numbers = #tpu.dot_dimension_numbers<[1], [0], [0], [1], [0, 0, 1, 1], [], []>, transpose_lhs_hint = false} : vector<4096x128xf32>, vector<128x37xf32>, vector<4096x37xf32> -> vector<4096x37xf32>
    %add3A = arith.addf %dot_general3A_35, %dot_general3A_38 : vector<4096x37xf32>
    %slice3A_39 = vector.extract_strided_slice %get3A_33 {offsets = [256, 0], sizes = [44, 37], strides = [1, 1]} : vector<300x37xf32> to vector<44x37xf32>
    %dot_general3A_40 = arith.constant dense<0.000000e+00> : vector<4096x37xf32>
    %dot_general3A_41 = tpu.matmul %slice3A, %slice3A_39, %dot_general3A_40 {dimension_numbers = #tpu.dot_dimension_numbers<[1], [0], [0], [1], [0, 0, 1, 1], [], []>, transpose_lhs_hint = false} : vector<4096x44xf32>, vector<44x37xf32>, vector<4096x37xf32> -> vector<4096x37xf32>
    %add3A_42 = arith.addf %add3A, %dot_general3A_41 : vector<4096x37xf32>
    %get3A_43 = arith.constant 0 : index
    %get3A_44 = arith.constant 0 : index
    %get3A_45 = vector.load %arg3[%get3A_43, %get3A_44] : memref<1x37xf32, #tpu.memory_space<vmem>>, vector<1x37xf32>
    %add3A_46 = vector.broadcast %get3A_45 : vector<1x37xf32> to vector<4096x37xf32>
    %add3A_47 = arith.addf %add3A_42, %add3A_46 : vector<4096x37xf32>
    %reduce_max3A = arith.constant dense<0xFF800000> : vector<4096xf32>
    %reduce_max3A_48 = vector.multi_reduction <maximumf>, %add3A_47, %reduce_max3A [1] : vector<4096x37xf32> to vector<4096xf32>
    %broadcast_in_dim3A = vector.shape_cast %reduce_max3A_48 : vector<4096xf32> to vector<4096x1xf32>
    %sub3A = vector.broadcast %broadcast_in_dim3A : vector<4096x1xf32> to vector<4096x37xf32>
    %sub3A_49 = arith.subf %add3A_47, %sub3A : vector<4096x37xf32>
    %exp3A = math.exp %sub3A_49 : vector<4096x37xf32>
    %reduce_sum3A = arith.constant dense<0.000000e+00> : vector<4096xf32>
    %reduce_sum3A_50 = vector.multi_reduction <add>, %exp3A, %reduce_sum3A [1] : vector<4096x37xf32> to vector<4096xf32>
    %broadcast_in_dim3A_51 = vector.shape_cast %reduce_sum3A_50 : vector<4096xf32> to vector<4096x1xf32>
    %log3A = math.log %broadcast_in_dim3A_51 : vector<4096x1xf32>
    %sub3A_52 = vector.broadcast %log3A : vector<4096x1xf32> to vector<4096x37xf32>
    %sub3A_53 = arith.subf %sub3A_49, %sub3A_52 : vector<4096x37xf32>
    %transpose3A = tpu.transpose %sub3A_53, [1, 0] : vector<4096x37xf32> -> vector<37x4096xf32>
    %swap3A = arith.constant 0 : index
    %swap3A_54 = arith.constant 0 : index
    %swap3A_55 = vector.load %arg4[%swap3A, %swap3A_54] : memref<37x4096xf32, #tpu.memory_space<vmem>>, vector<37x4096xf32>
    tpu.vector_store %arg4[%swap3A, %swap3A_54], %transpose3A {strides = array<i32>} : memref<37x4096xf32, #tpu.memory_space<vmem>>, vector<37x4096xf32>,
    return
  }
  func.func @transform_0(%arg0: i32) -> (i32, i32, i32) {
    %c0_i32 = arith.constant 0 : i32
    %c0_i32_0 = arith.constant 0 : i32
    %c0_i32_1 = arith.constant 0 : i32
    return %c0_i32, %arg0, %c0_i32_0 : i32, i32, i32
  }
  func.func @transform_1(%arg0: i32) -> (i32, i32) {
    %c0_i32 = arith.constant 0 : i32
    %c0_i32_0 = arith.constant 0 : i32
    %c0_i32_1 = arith.constant 0 : i32
    return %c0_i32, %c0_i32_0 : i32, i32
  }
  func.func @transform_2(%arg0: i32) -> (i32, i32) {
    %c0_i32 = arith.constant 0 : i32
    %c0_i32_0 = arith.constant 0 : i32
    %c0_i32_1 = arith.constant 0 : i32
    return %c0_i32, %c0_i32_0 : i32, i32
  }
  func.func @transform_3(%arg0: i32) -> (i32, i32) {
    %c0_i32 = arith.constant 0 : i32
    %c0_i32_0 = arith.constant 0 : i32
    return %c0_i32, %arg0 : i32, i32
  }
}

</mosaic_0001>

<sc_bundles>
// kernel: kernel.5.cloned.1.call-start
scs
__scs_entry_jumppad:
0x0: {  	(pc) =	sbr.rel $0x88, $3  }
0x1: {  	(tag) =	ssettag $0x0;
	lr =	simm.s32 $0x1  }
0x2: {  	[smem:$0x3F9B] =	sst lr;
	_ =	strace $0xD0000000  }
0x3: {  	_ = 	snop  }
0x4: {  	_ = 	snop  }
0x5: {  	_ = 	snop  }
0x6: {  	_ = 	snop  }
0x7: {  	_ = 	snop  }
__scs_overlays_trampoline_lowered:
0x8: {  	[smem:$0x3FAA] =	sst s0  }
0x9: {  	[smem:$0x3FAB] =	sst s1  }
0xa: {  	[smem:$0x3FAC] =	sst s2  }
0xb: {  	[smem:$0x3FAD] =	sst s3  }
0xc: {  	[smem:$0x3FAE] =	sst s4  }
0xd: {  	[smem:$0x3FAF] =	sst s5  }
0xe: {  	[smem:$0x3FB0] =	sst s6  }
0xf: {  	[smem:$0x3FB1] =	sst s7  }
0x10: {  	[smem:$0x3FB2] =	sst s8  }
0x11: {  	[smem:$0x3FB3] =	sst s9;
	s0 =	simm.s32 @!p0 $0x0  }
0x12: {  	s1 =	sld [smem:$0x3F99];
	s0 =	simm.s32 @p0 $0x1  }
0x13: {  	[smem:$0x3FB4] =	sst s0;
	s0 =	simm.s32 @!p1 $0x0  }
0x14: {  	s2 =	sld [smem:$0x3F98];
	s0 =	simm.s32 @p1 $0x1  }
0x15: {  	[smem:$0x3FB5] =	sst s0;
	s0 =	simm.s32 @!p2 $0x0  }
0x16: {  	s3 =	sld [smem:$0x3FDB];
	s0 =	simm.s32 @p2 $0x1  }
0x17: {  	s4 =	simm.s32 $0x1BF5;
	[smem:$0x3FB7] =	sst s0  }
0x18: {  	s0 =	sld [smem:$0x3F9A];
	_ =	swait.ge [sflag:s4], $0x0  }
0x19: {  	s7 =	sld [smem:$0x3F9B]  }
0x1a: {  	s8 =	sadd.s32 $0xFFFFE003, lr  }
0x1b: {  	s9 =	sadd.s32 $0xFFFFFEF7, lr;
	s5 =	simm.s32 $0xFFFFFFFF;
	p2 =	slt.u32 s8, $0xFFFFF086  }
0x1c: {  	p1 =	slt.u32 s9, $0xF7A;
	s5 =	simm.s32 @!p2 $0x0  }
0x1d: {  	s5 =	simm.s32 @p1 $0x1;
	p0 =	seq.s32 s7, s2  }
0x1e: {  	s7 =	smul.u32 @!p0 $0xF7A, s2;
	p2 =	seq.s32 @!p0 s5, $0x0  }
0x1f: {  	s9 =	smul.u32 $0xF7A, s1;
	s8 =	simm.s32 @!p0 $0x1BF5;
	p2 =	por !p2, p0  }
0x20: {  	[sflag:s8] =	ssyncset.s32 @!p0 $0xFFFFF086;
	s6 =	sadd.s32 @!p0 s3, s7;
	s7 =	simm.s32 @!p0 $0x108  }
0x21: {  	s3 =	sadd.s32 s3, s9;
	s6 =	sadd.s32 @!p0 $0x88, s6;
	s7 =	simm.s32 @p2 $0x1082  }
0x22: {  	[simem:s7], [sflag:s8] =	dma.local @!p0 [hbm:s6], $0xF7A  }
0x23: {  	s9 =	sor.u32 $0xD0000000, s2;
	s6 =	simm.s32 $0x108;
	_ =	swait.ge @!p0 [sflag:s8], $0x0  }
0x24: {  	s3 =	sadd.s32 $0x88, s3;
	s6 =	simm.s32 @!p1 $0x1082;
	[sflag:s4] =	ssyncset.s32 $0xFFFFF086  }
0x25: {  	[simem:s6], [sflag:s4] =	dma.local [hbm:s3], $0xF7A  }
0x26: {  	[smem:$0x3F9B] =	sst s1;
	(tag) =	ssettag s2;
	_ =	strace s9  }
0x27: {  	s1 =	sld [smem:$0x3FAB]  }
0x28: {  	s2 =	sld [smem:$0x3FAC]  }
0x29: {  	s4 =	sld [smem:$0x3FAE]  }
0x2a: {  	p0 =	seq.s32 s5, $0x0;
	s5 =	sld [smem:$0x3FAF]  }
0x2b: {  	s6 =	sld [smem:$0x3FB0]  }
0x2c: {  	s7 =	sld [smem:$0x3FB1]  }
0x2d: {  	s3 =	simm.s32 $0x108;
	s8 =	sld [smem:$0x3FB2]  }
0x2e: {  	s3 =	simm.s32 @!p0 $0x1082;
	s9 =	sld [smem:$0x3FB3]  }
0x2f: {  	lr =	sadd.s32 s0, s3;
	s0 =	sld [smem:$0x3FAA]  }
0x30: {  	s3 =	sld [smem:$0x3FAD]  }
0x31: {  	[smem:$0x3FB6] =	sst s10  }
0x32: {  	s10 =	sld [smem:$0x3FB4];
	_ =	sdelay $0x3  }
0x33: {  	p0 =	seq.s32 s10, $0x1;
	s10 =	sld [smem:$0x3FB6];
	_ =	sdelay $0x3  }
0x34: {  	[smem:$0x3FB6] =	sst s10  }
0x35: {  	s10 =	sld [smem:$0x3FB5];
	_ =	sdelay $0x3  }
0x36: {  	p1 =	seq.s32 s10, $0x1;
	s10 =	sld [smem:$0x3FB6];
	_ =	sdelay $0x3  }
0x37: {  	[smem:$0x3FB6] =	sst s10  }
0x38: {  	s10 =	sld [smem:$0x3FB7]  }
0x39: {  	_ = 	snop;
	(pc) =	sbr.ind lr, $3  }
0x3a: {  	_ = 	snop  }
0x3b: {  	_ = 	snop  }
0x3c: {  	p2 =	seq.s32 s10, $0x1;
	s10 =	sld [smem:$0x3FB6]  }
0x3d: {  	_ =	shalt  }
0x3e: {  	_ =	shalt  }
0x3f: {  	_ =	shalt  }
0x40: {  	_ =	shalt  }
0x41: {  	_ =	shalt  }
0x42: {  	_ =	shalt  }
0x43: {  	_ =	shalt  }
0x44: {  	_ =	shalt  }
0x45: {  	_ =	shalt  }
0x46: {  	_ =	shalt  }
0x47: {  	_ =	shalt  }
0x48: {  	_ =	shalt  }
0x49: {  	_ =	shalt  }
0x4a: {  	_ =	shalt  }
0x4b: {  	_ =	shalt  }
0x4c: {  	_ =	shalt  }
0x4d: {  	_ =	shalt  }
0x4e: {  	_ =	shalt  }
0x4f: {  	_ =	shalt  }
0x50: {  	_ =	shalt  }
0x51: {  	_ =	shalt  }
0x52: {  	_ =	shalt  }
0x53: {  	_ =	shalt  }
0x54: {  	_ =	shalt  }
0x55: {  	_ =	shalt  }
0x56: {  	_ =	shalt  }
0x57: {  	_ =	shalt  }
0x58: {  	_ =	shalt  }
0x59: {  	_ =	shalt  }
0x5a: {  	_ =	shalt  }
0x5b: {  	_ =	shalt  }
0x5c: {  	_ =	shalt  }
0x5d: {  	_ =	shalt  }
0x5e: {  	_ =	shalt  }
0x5f: {  	_ =	shalt  }
0x60: {  	_ =	shalt  }
0x61: {  	_ =	shalt  }
0x62: {  	_ =	shalt  }
0x63: {  	_ =	shalt  }
0x64: {  	_ =	shalt  }
0x65: {  	_ =	shalt  }
0x66: {  	_ =	shalt  }
0x67: {  	_ =	shalt  }
0x68: {  	_ =	shalt  }
0x69: {  	_ =	shalt  }
0x6a: {  	_ =	shalt  }
0x6b: {  	_ =	shalt  }
0x6c: {  	_ =	shalt  }
0x6d: {  	_ =	shalt  }
0x6e: {  	_ =	shalt  }
0x6f: {  	_ =	shalt  }
0x70: {  	_ =	shalt  }
0x71: {  	_ =	shalt  }
0x72: {  	_ =	shalt  }
0x73: {  	_ =	shalt  }
0x74: {  	_ =	shalt  }
0x75: {  	_ =	shalt  }
0x76: {  	_ =	shalt  }
0x77: {  	_ =	shalt  }
0x78: {  	_ =	shalt  }
0x79: {  	_ =	shalt  }
0x7a: {  	_ =	shalt  }
0x7b: {  	_ =	shalt  }
0x7c: {  	_ =	shalt  }
0x7d: {  	_ =	shalt  }
0x7e: {  	_ =	shalt  }
0x7f: {  	_ =	shalt  }
0x80: {  	_ =	shalt  }
0x81: {  	_ =	shalt  }
0x82: {  	_ =	shalt  }
0x83: {  	_ =	shalt  }
0x84: {  	_ =	shalt  }
0x85: {  	_ =	shalt  }
0x86: {  	_ =	shalt  }
0x87: {  	_ =	shalt  }
.Lfunc_end0:
.L_simem_size_0:
called_computation_lowered:
.L_overlay_start_0:
0x88: {  	s2 =	sld [smem:$0x3FD9]  }
0x89: {  	s3 =	sld [smem:$0x3FFE];
	_ =	sdelay $0x1  }
0x8a: {  	s1 =	srdreg.scid  }
0x8b: {  	s0 =	sand.u32 $0x1, s1  }
0x8c: {  	s17 =	sshll.u32 s0, $0xA;
	s2 =	sadd.s32 s3, s2  }
0x8d: {  	s2 =	sadd.s32 s2, s17  }
0x8e: {  	[smem:$0x3FC2] =	sst s2  }
0x8f: {  	_ = 	snop  }
0x90: {  	s2 =	sld [smem:$0x3FD0];
	(tm) =	ssettm $0x1  }
0x91: {  	s18 =	sld [smem:$0x3FFB];
	_ =	sdelay $0x3  }
0x92: {  	_ =	strace s18  }
0x93: {  	s3 =	sld [smem:$0x3FFC];
	_ =	sdelay $0x3  }
0x94: {  	_ =	strace s3  }
0x95: {  	s3 =	sld [smem:$0x3FFD];
	_ =	sdelay $0x3  }
0x96: {  	_ =	strace s3  }
0x97: {  	_ =	strace $0x8FFFFFFF  }
0x98: {  	s19 =	sld [smem:$0x3FDB];
	_ =	sdelay $0x1  }
0x99: {  	s4 =	simm.s32 $_scs_section_size  }
0x9a: {  	s5 =	simm.s32 $_size__tile_overlayer_lowered;
	s6 =	simm.s32 $_tile_overlayer_lowered  }
0x9b: {  	s22 =	simm.s32 $0x1BFF;
	s21 =	sshll.u32 s6, $0x1;
	s3 =	sadd.s32 s4, s19  }
0x9c: {  	s7 =	simm.s32 $0x0;
	s20 =	sshll.u32 s5, $0x1;
	s5 =	sadd.s32 s21, s3  }
0x9d: {  	[timem:s7], [sflag:s22] =	dma.local [hbm:s5], s20  }
0x9e: {  	_ =	swait.ge [sflag:s22], s20  }
0x9f: {  	s4 =	ssub.s32 $0x0, s20;
	[sflag:s22] =	ssyncset.done $0x0  }
0xa0: {  	[sflag:s22] =	ssyncadd.s32 s4;
	_ =	sdelay $0x1  }
0xa1: {  	s23 =	simm.s32 $0x1B8B  }
0xa2: {  	_ =	swait.ge [sflag:s23], $0x1  }
0xa3: {  	[sflag:s23] =	ssyncset.done $0x0  }
0xa4: {  	s25 =	simm.s32 $0x1B8E;
	s24 =	sld [smem:$0x3FFE];
	[sflag:s23] =	ssyncadd.s32 $0xFFFFFFFF  }
0xa5: {  	s26 =	simm.s32 $execute0_lowered;
	[smem:$0x3FD2] =	sst s25  }
0xa6: {  	s5 =	sshll.u32 s26, $0x1;
	_ =	strace $0x80000046;
	[dreg:$0x1] =	wrdreg $0xFFFFFFFF  }
0xa7: {  	s28 =	simm.s32 $_size_execute0_lowered;
	s3 =	sadd.s32 s3, s5;
	[dreg:$0x0] =	wrdreg $0x0  }
0xa8: {  	s5 =	sshll.u32 s28, $0x1;
	[dreg:$0x2] =	wrdreg s3  }
0xa9: {  	[dreg:$0x3] =	wrdreg s5  }
0xaa: {  	[dreg:$0x4] =	wrdreg $0xC0  }
0xab: {  	_ =	task [dreg:s7], $0x5FFFF  }
0xac: {  	[dreg:$0x1] =	wrdreg $0xFFFFFFFF  }
0xad: {  	[dreg:$0x0] =	wrdreg $0x60  }
0xae: {  	[dreg:$0x2] =	wrdreg s24  }
0xaf: {  	[dreg:$0x3] =	wrdreg s2  }
0xb0: {  	[dreg:$0x4] =	wrdreg $0x9  }
0xb1: {  	_ =	task.clear_ibuf [dreg:s7], $0x5FFFF;
	_ =	strace $0x90000046  }
0xb2: {  	s29 =	simm.s32 $0x9;
	_ =	strace $0x80000048  }
0xb3: {  	_ =	swait.ge [sflag:s29], $0x1  }
0xb4: {  	[sflag:s29] =	ssyncadd.s32 $0xFFFFFFFF  }
0xb5: {  	_ =	strace $0x90000048  }
0xb6: {  	_ =	sfence  }
0xb7: {  	s30 =	sld [smem:$0x0];
	_ =	sdelay $0x2  }
0xb8: {  	s31 =	sshll.u32 s1, $0xD;
	s1 =	sshrl.u32 s1, $0x2  }
0xb9: {  	s3 =	sand.u32 $0x4000, s31;
	s1 =	sadd.s32 s1, s30  }
0xba: {  	s0 =	sor.u32 s3, s0;
	s1 =	sshll.u32 s1, $0x11  }
0xbb: {  	s0 =	sor.u32 s1, s0  }
0xbc: {  	s0 =	sadd.s32 $0x8F2B, s0  }
0xbd: {  	[sflag:s0] =	ssyncadd.remote.s32 $0x1  }
0xbe: {  	_ =	sfence.sel $0xFFFF  }
0xbf: {  	[dreg:$0x0] =	wrdreg $0xFFFFFFFF;
	(pc) =	sbr.abs _section_cstart, $3  }
0xc0: {  	[dreg:$0x1] =	wrdreg $0xFFFFFFFF  }
0xc1: {  	_ =	task.clear_ibuf [dreg:s7], $0x2FFFF;
	_ =	strace $0x9FFFFFFF  }
0xc2: {  	(tm) =	ssettm $0x7FFFFFFF  }
0xc3: {  	_ =	shalt  }
tec
execute0_lowered:
.L_overlay_start_1:
0x0: {  	(tag) =	ssettag $0x1  }
0x1: {  	s1 =	srdreg.scid  }
0x2: {  	s0 =	stileid.u32;
	s17 =	sand.u32 $0x1, s1  }
0x3: {  	s16 =	rddreg [dreg:$0x0];
	s30 =	sshll.u32 s0, $0xA;
	s2 =	sshll.u32 s17, $0x9  }
0x4: {  	s5 =	rddreg [dreg:$0x1];
	s11 =	sor.u32 s2, s30  }
0x5: {  	s1 =	rddreg [dreg:$0x2];
	s2 =	simm.s32 $0x0;
	s6 =	sshrl.u32 s11, $0x3  }
0x6: {  	[smem:$0x7FF] =	sst s2;
	s3 =	sadd.s32 s6, s16  }
0x7: {  	_ =	strace $0x80000047;
	s4 =	sadd.s32 $0x3F400, s3;
	s3 =	simm.s32 $0x2  }
0x8: {  	[tilespmem:s2], [sflag:$0x2] =	stream.linear.gather [hbm4b:s4+s2], $0x200, $0x38;
	[tilespmem:$0x10400] =	vst v63  }
0x9: {  	_ =	swait.ge [sflag:s3], $0x200  }
0xa: {  	[sflag:s3] =	ssyncset.done $0x0  }
0xb: {  	s5 =	sadd.s32 s5, s6;
	s6 =	simm.s32 $0x200;
	[sflag:s3] =	ssyncadd.s32 $0xFFFFFE00  }
0xc: {  	[tilespmem:s6], [sflag:$0x2] =	stream.linear.gather [hbm4b:s5+s2], $0x200, $0x38;
	[tilespmem:$0x10400] =	vst v63  }
0xd: {  	_ =	swait.ge [sflag:s3], $0x200  }
0xe: {  	s8 =	simm.s32 $0x400;
	[sflag:s3] =	ssyncset.done $0x0  }
0xf: {  	s9 =	simm.s32 $0x1;
	s7 =	sadd.s32 $0x1E00, s16;
	[sflag:s3] =	ssyncadd.s32 $0xFFFFFE00  }
0x10: {  	[tilespmem:s8], [sflag:$0x1] =	stream.indirect.gather [hbm4b:s7+s6], $0x80, s2, s6, $0xb8;
	[tilespmem:$0x10400] =	vst v63  }
0x11: {  	_ =	swait.ge [sflag:s9], $0x10000  }
0x12: {  	[sflag:s9] =	ssyncset.done $0x0  }
0x13: {  	s10 =	sadd.s32 $0x54400, s16;
	[sflag:s9] =	ssyncadd.s32 $0xFFFF0000  }
0x14: {  	[tilespmem:s8], [sflag:$0x1] =	stream.indirect.gather.add.f32 [hbm:s10], $0x80, s6, s6, $0xb8;
	[tilespmem:$0x10400] =	vst v63  }
0x15: {  	s11 =	sshll.u32 s11, $0x4;
	_ =	swait.ge [sflag:s9], $0x10000  }
0x16: {  	s18 =	sadd.s32 s11, s16;
	[sflag:s9] =	ssyncset.done $0x0  }
0x17: {  	s11 =	sadd.s32 $0x91C00, s18;
	[sflag:s9] =	ssyncadd.s32 $0xFFFF0000  }
0x18: {  	[hbm4b:s11+s2] =	stream.linear.scatter [tilespmem:s8], [sflag:$0x2], $0x10000, $0x38;
	[tilespmem:$0x10400] =	vst v63  }
0x19: {  	_ =	swait.ge [sflag:s3], $0x10000  }
0x1a: {  	[sflag:s3] =	ssyncset.done $0x0  }
0x1b: {  	s12 =	sadd.s32 $0x16600, s16;
	[sflag:s3] =	ssyncadd.s32 $0xFFFF0000  }
0x1c: {  	[tilespmem:s8], [sflag:$0x1] =	stream.indirect.gather [hbm4b:s12+s6], $0x80, s2, s6, $0xb8;
	[tilespmem:$0x10400] =	vst v63  }
0x1d: {  	_ =	swait.ge [sflag:s9], $0x10000  }
0x1e: {  	[sflag:s9] =	ssyncset.done $0x0  }
0x1f: {  	s13 =	sadd.s32 $0x68C00, s16;
	[sflag:s9] =	ssyncadd.s32 $0xFFFF0000  }
0x20: {  	[tilespmem:s8], [sflag:$0x1] =	stream.indirect.gather.add.f32 [hbm:s13], $0x80, s6, s6, $0xb8;
	[tilespmem:$0x10400] =	vst v63  }
0x21: {  	_ =	swait.ge [sflag:s9], $0x10000  }
0x22: {  	[sflag:s9] =	ssyncset.done $0x0  }
0x23: {  	s14 =	sadd.s32 $0xD1C00, s18;
	[sflag:s9] =	ssyncadd.s32 $0xFFFF0000  }
0x24: {  	[hbm4b:s14+s2] =	stream.linear.scatter [tilespmem:s8], [sflag:$0x2], $0x10000, $0x38;
	[tilespmem:$0x10400] =	vst v63  }
0x25: {  	_ =	swait.ge [sflag:s3], $0x10000  }
0x26: {  	[sflag:s3] =	ssyncset.done $0x0  }
0x27: {  	s15 =	sadd.s32 $0x3FC00, s16;
	s17 =	ssub.s32 $0x2, s17;
	[sflag:s3] =	ssyncadd.s32 $0xFFFF0000  }
0x28: {  	[tilespmem:s8], [sflag:$0x1] =	stream.indirect.gather [hbm4b:s15+s6], $0x80, s2, s6, $0xb8;
	[tilespmem:$0x10400] =	vst v63  }
0x29: {  	s19 =	sshrl.u32 s17, $0x1;
	_ =	swait.ge [sflag:s9], $0x10000  }
0x2a: {  	s19 =	ssub.s32 s17, s19;
	[sflag:s9] =	ssyncset.done $0x0  }
0x2b: {  	s16 =	sadd.s32 $0x7D400, s16;
	s31 =	smax.u32 s19, $0x1;
	[sflag:s9] =	ssyncadd.s32 $0xFFFF0000  }
0x2c: {  	[tilespmem:s8], [sflag:$0x1] =	stream.indirect.gather.add.f32 [hbm:s16], $0x80, s6, s6, $0xb8;
	[tilespmem:$0x10400] =	vst v63  }
0x2d: {  	p0 =	sne.s32 s31, $0x1;
	_ =	swait.ge [sflag:s9], $0x10000  }
.Ltmp0:
0x2e: {  	[sflag:s9] =	ssyncset.done $0x0;
	(pc) =	sbr.rel @!p0 .LBB2_2-.Ltmp0, $4  }
0x2f: {  	s17 =	sadd.s32 $0x111C00, s18;
	[sflag:s9] =	ssyncadd.s32 $0xFFFF0000  }
0x30: {  	[hbm4b:s17+s2] =	stream.linear.scatter [tilespmem:s8], [sflag:$0x2], $0x10000, $0x38;
	[tilespmem:$0x10400] =	vst v63  }
0x31: {  	_ =	swait.ge [sflag:s3], $0x10000  }
0x32: {  	s18 =	sadd.s32 $0xFFFFFFFF, s31;
	[sflag:s3] =	ssyncset.done $0x0  }
.LBB2_1:
0x33: {  	p0 =	sne.s32 s18, $0x1;
	s18 =	sadd.s32 $0xFFFFFFFF, s18;
	[sflag:s3] =	ssyncadd.s32 $0xFFFF0000  }
0x34: {  	[tilespmem:s2], [sflag:$0x2] =	stream.linear.gather [hbm4b:s4+s2], $0x200, $0x38;
	[tilespmem:$0x10400] =	vst v63  }
0x35: {  	_ =	swait.ge [sflag:s3], $0x200  }
0x36: {  	[sflag:s3] =	ssyncset.done $0x0  }
0x37: {  	[sflag:s3] =	ssyncadd.s32 $0xFFFFFE00  }
0x38: {  	[tilespmem:s6], [sflag:$0x2] =	stream.linear.gather [hbm4b:s5+s2], $0x200, $0x38;
	[tilespmem:$0x10400] =	vst v63  }
0x39: {  	_ =	swait.ge [sflag:s3], $0x200  }
0x3a: {  	[sflag:s3] =	ssyncset.done $0x0  }
0x3b: {  	[sflag:s3] =	ssyncadd.s32 $0xFFFFFE00  }
0x3c: {  	[tilespmem:s8], [sflag:$0x1] =	stream.indirect.gather [hbm4b:s7+s6], $0x80, s2, s6, $0xb8;
	[tilespmem:$0x10400] =	vst v63  }
0x3d: {  	_ =	swait.ge [sflag:s9], $0x10000  }
0x3e: {  	[sflag:s9] =	ssyncset.done $0x0  }
0x3f: {  	[sflag:s9] =	ssyncadd.s32 $0xFFFF0000  }
0x40: {  	[tilespmem:s8], [sflag:$0x1] =	stream.indirect.gather.add.f32 [hbm:s10], $0x80, s6, s6, $0xb8;
	[tilespmem:$0x10400] =	vst v63  }
0x41: {  	_ =	swait.ge [sflag:s9], $0x10000  }
0x42: {  	[sflag:s9] =	ssyncset.done $0x0  }
0x43: {  	[sflag:s9] =	ssyncadd.s32 $0xFFFF0000  }
0x44: {  	[hbm4b:s11+s2] =	stream.linear.scatter [tilespmem:s8], [sflag:$0x2], $0x10000, $0x38;
	[tilespmem:$0x10400] =	vst v63  }
0x45: {  	_ =	swait.ge [sflag:s3], $0x10000  }
0x46: {  	[sflag:s3] =	ssyncset.done $0x0  }
0x47: {  	[sflag:s3] =	ssyncadd.s32 $0xFFFF0000  }
0x48: {  	[tilespmem:s8], [sflag:$0x1] =	stream.indirect.gather [hbm4b:s12+s6], $0x80, s2, s6, $0xb8;
	[tilespmem:$0x10400] =	vst v63  }
0x49: {  	_ =	swait.ge [sflag:s9], $0x10000  }
0x4a: {  	[sflag:s9] =	ssyncset.done $0x0  }
0x4b: {  	[sflag:s9] =	ssyncadd.s32 $0xFFFF0000  }
0x4c: {  	[tilespmem:s8], [sflag:$0x1] =	stream.indirect.gather.add.f32 [hbm:s13], $0x80, s6, s6, $0xb8;
	[tilespmem:$0x10400] =	vst v63  }
0x4d: {  	_ =	swait.ge [sflag:s9], $0x10000  }
0x4e: {  	[sflag:s9] =	ssyncset.done $0x0  }
0x4f: {  	[sflag:s9] =	ssyncadd.s32 $0xFFFF0000  }
0x50: {  	[hbm4b:s14+s2] =	stream.linear.scatter [tilespmem:s8], [sflag:$0x2], $0x10000, $0x38;
	[tilespmem:$0x10400] =	vst v63  }
0x51: {  	_ =	swait.ge [sflag:s3], $0x10000  }
0x52: {  	[sflag:s3] =	ssyncset.done $0x0  }
0x53: {  	[sflag:s3] =	ssyncadd.s32 $0xFFFF0000  }
0x54: {  	[tilespmem:s8], [sflag:$0x1] =	stream.indirect.gather [hbm4b:s15+s6], $0x80, s2, s6, $0xb8;
	[tilespmem:$0x10400] =	vst v63  }
0x55: {  	_ =	swait.ge [sflag:s9], $0x10000  }
0x56: {  	[sflag:s9] =	ssyncset.done $0x0  }
0x57: {  	[sflag:s9] =	ssyncadd.s32 $0xFFFF0000  }
0x58: {  	[tilespmem:s8], [sflag:$0x1] =	stream.indirect.gather.add.f32 [hbm:s16], $0x80, s6, s6, $0xb8;
	[tilespmem:$0x10400] =	vst v63  }
0x59: {  	_ =	swait.ge [sflag:s9], $0x10000  }
.Ltmp1:
0x5a: {  	[sflag:s9] =	ssyncset.done $0x0;
	(pc) =	sbr.rel @p0 .LBB2_1-.Ltmp1, $4  }
0x5b: {  	[sflag:s9] =	ssyncadd.s32 $0xFFFF0000  }
0x5c: {  	[hbm4b:s17+s2] =	stream.linear.scatter [tilespmem:s8], [sflag:$0x2], $0x10000, $0x38;
	[tilespmem:$0x10400] =	vst v63  }
0x5d: {  	_ =	swait.ge [sflag:s3], $0x10000  }
0x5e: {  	[sflag:s3] =	ssyncset.done $0x0  }
.LBB2_2:
0x5f: {  	[sflag:s3] =	ssyncadd.s32 $0xFFFF0000  }
0x60: {  	_ =	sfence.sel $0x180000  }
0x61: {  	[bflag:$0x0] =	sbarrier.arrive $0xFFFF  }
0x62: {  	p0 =	sne.s32 s0, $0x0;
	_ =	strace $0x90000047  }
0x63: {  	s0 =	sadd.s32 @!p0 $0x100000, s1;
	[bflag:$0x2] =	sbarrier.arrive $0xFFFF  }
0x64: {  	[sflag:s0] =	ssyncadd.tile.s32 @!p0 $0x1;
	_ =	shalt  }
.Lfunc_end2:
_tile_overlayer_lowered:
.L_overlay_start_2:
0x65: {  	(tag) =	ssettag $0x2  }
0x66: {  	s0 =	rddreg [dreg:$0x0];
	s2 =	stileid.u32  }
0x67: {  	s1 =	rddreg [dreg:$0x1];
	p0 =	sne.s32 s2, $0x0  }
0x68: {  	s3 =	rddreg [dreg:$0x2];
	[bflag:$0x3] =	sbarrier.arrive $0xFFFF;
	s2 =	simm.s32 @!p0 $0x1C02  }
0x69: {  	[timem:s3], [sflag:s2] =	dma.local @!p0 [hbm:s0], s1  }
0x6a: {  	s0 =	simm.s32 @!p0 $0x2  }
0x6b: {  	_ =	swait.ge @!p0 [sflag:s0], s1  }
0x6c: {  	s1 =	ssub.s32 @!p0 $0x0, s1;
	[sflag:s0] =	ssyncset.done @!p0 $0x0  }
0x6d: {  	[sflag:s0] =	ssyncadd.s32 @!p0 s1  }
0x6e: {  	[bflag:$0x3] =	sbarrier.arrive $0xFFFF  }
0x6f: {  	_ =	shalt  }

</sc_bundles>
